<compile_context>
chip_gen: v7x
topology: tpu7x:2x2x1
jax: 0.10.2.dev20260603
libtpu: 0.0.44.dev20260713+nightly
codegen_flags: <defaults>
</compile_context>

<pallas_src>
import functools

import jax
import jax.numpy as jnp
from jax import lax
from jax.experimental import pallas as pl
from jax.experimental.pallas import tpu as pltpu
from jax.experimental.pallas import tpu_sc as plsc

N_CODES = 8192
DIM = 32
N_VECS = 8192
BN = 1024
CK = 2048
BETA = 0.25


def _tc_body(zsq_ref, cbsq_ref, z_ref, cb_ref, ids_ref, loss_ref):
    zbf = z_ref[...]
    zsq = zsq_ref[...]
    run_min = jnp.full((BN, 1), jnp.inf, dtype=jnp.float32)
    run_arg = jnp.zeros((BN, 1), dtype=jnp.int32)
    true_min = jnp.full((BN, 1), jnp.inf, dtype=jnp.float32)
    col = lax.broadcasted_iota(jnp.int32, (BN, CK), 1).astype(jnp.float32)
    for c in range(N_CODES // CK):
        cbc = cb_ref[c * CK:(c + 1) * CK, :]
        cbsq = cbsq_ref[:, c * CK:(c + 1) * CK]
        mm = lax.dot_general(zbf, cbc,
                             (((1,), (1,)), ((), ())),
                             preferred_element_type=jnp.float32)
        dist = (zsq + mm) + cbsq
        mval = jnp.min(dist, axis=1, keepdims=True)
        marg_f = jnp.min(jnp.where(dist == mval, col, jnp.float32(2**30)),
                         axis=1, keepdims=True)
        marg = marg_f.astype(jnp.int32)
        upd = mval < run_min
        run_arg = jnp.where(upd, marg + jnp.int32(c * CK), run_arg)
        run_min = jnp.where(
            upd, mval.astype(jnp.bfloat16).astype(jnp.float32), run_min)
        true_min = jnp.minimum(true_min, mval)
    ids_ref[...] = run_arg
    part = jnp.sum(true_min, axis=(0, 1), keepdims=True)
    i = pl.program_id(0)

    @pl.when(i == 0)
    def _init():
        loss_ref[...] = part

    @pl.when(i != 0)
    def _acc():
        loss_ref[...] += part


def _tc_argmin(zsq, cbsq, z_f, cb):
    n = z_f.shape[0]
    return pl.pallas_call(
        _tc_body,
        grid=(n // BN,),
        in_specs=[
            pl.BlockSpec((BN, 1), lambda i: (i, 0)),
            pl.BlockSpec((1, N_CODES), lambda i: (0, 0)),
            pl.BlockSpec((BN, DIM), lambda i: (i, 0)),
            pl.BlockSpec((N_CODES, DIM), lambda i: (0, 0)),
        ],
        out_specs=[
            pl.BlockSpec((BN, 1), lambda i: (i, 0)),
            pl.BlockSpec((1, 1), lambda i: (0, 0)),
        ],
        out_shape=[
            jax.ShapeDtypeStruct((n, 1), jnp.int32),
            jax.ShapeDtypeStruct((1, 1), jnp.float32),
        ],
    )(zsq, cbsq, z_f, cb)


_NC = 2
_NS = 16
_NW = _NC * _NS
_GCHUNK = 128
_DPAD = 128


@functools.lru_cache(maxsize=None)
def _make_sc_gather(nrows):
    bpw = nrows // _NW
    gchunk = min(bpw, _GCHUNK)
    nch = bpw // gchunk

    @functools.partial(
        pl.kernel,
        mesh=plsc.VectorSubcoreMesh(core_axis_name="c", subcore_axis_name="s"),
        out_type=jax.ShapeDtypeStruct((nrows, _DPAD), jnp.float32),
        scratch_types=[
            pltpu.VMEM((bpw,), jnp.int32),
            pltpu.VMEM((bpw, _DPAD), jnp.float32),
            pltpu.SemaphoreType.DMA,
        ],
    )
    def _sc_gather(cb_hbm, ids_hbm, out_hbm, idx_v, rows_v, sem):
        wid = lax.axis_index("s") * _NC + lax.axis_index("c")
        base = wid * bpw
        pltpu.sync_copy(ids_hbm.at[pl.ds(base, bpw)], idx_v)
        copies = [
            pltpu.async_copy(cb_hbm.at[idx_v.at[pl.ds(j * gchunk, gchunk)]],
                             rows_v.at[pl.ds(j * gchunk, gchunk)], sem)
            for j in range(nch)
        ]
        for cp in copies:
            cp.wait()
        pltpu.sync_copy(rows_v, out_hbm.at[pl.ds(base, bpw)])

    return _sc_gather


def kernel(z, codebook):
    z_f = z.reshape(-1, DIM)
    zsq = jnp.sum(z ** 2, axis=-1).reshape(-1, 1)
    cbsq = jnp.sum(codebook ** 2, axis=-1)[None, :]
    zbf = z_f.astype(jnp.bfloat16)
    ids2, lacc = _tc_argmin(zsq, cbsq, zbf, -2.0 * codebook)
    ids = ids2.reshape(-1)
    cb_pad = jnp.pad(codebook, ((0, 0), (0, _DPAD - DIM)))
    z_q = _make_sc_gather(N_VECS)(cb_pad, ids)[:, :DIM].reshape(z.shape)
    loss = lacc[0, 0] * jnp.float32((1.0 + BETA) / (N_VECS * DIM))
    return (z, z_q, loss, ids)

# --- scband reference (transcript-rebuilt; emitter-appended) ---
"""Pipeline reference for scband-quantization-137438953784 (READ-ONLY COPY).

The authoritative reference and input builder live on the scoring server;
editing this copy changes nothing except your own understanding.
"""

import jax, jax.numpy as jnp
import numpy as np

NUM_EMBED = 8192
LATENT_DIM = 32
BETA = 0.25

def setup_inputs(seed: int = 0) -> dict:
    key = jax.random.key(seed)
    k1, k2 = jax.random.split(key)
    z = jax.random.normal(k1, (8, 1024, 32), dtype=jnp.float32)
    codebook = jax.random.normal(k2, (8192, 32), dtype=jnp.float32)
    return {"z": z, "codebook": codebook}

def find_closest_tensor(z_f, codebook):
    # squared L2 distance from every latent vector to every codebook entry
    z_sq = jnp.sum(z_f ** 2, axis=-1, keepdims=True)            # [N, 1]
    cb_sq = jnp.sum(codebook ** 2, axis=-1)                      # [K]
    dist = z_sq - 2.0 * jnp.matmul(z_f, codebook.T) + cb_sq[None, :]  # [N, K]
    return jnp.argmin(dist, axis=-1)                             # [N]

def reference(z, codebook):
    # hard quantization branch of Quantization.forward with calculate_loss=True
    z_shape = z.shape
    z_f = z.reshape(-1, LATENT_DIM)
    min_embed_ids = find_closest_tensor(z_f, codebook)
    encodings = jax.nn.one_hot(min_embed_ids, NUM_EMBED, dtype=z.dtype)  # [N, K]
    z_q = jnp.matmul(encodings, codebook).reshape(z_shape)
    sg = jax.lax.stop_gradient
    # partial_loss: commitment + codebook loss
    codebook_loss = jnp.mean((sg(z_q) - z) ** 2) + BETA * jnp.mean((z_q - sg(z)) ** 2)
    # straight-through estimator
    z_q_st = z + sg(z_q - z)
    return (z, z_q_st, codebook_loss, min_embed_ids)

if __name__ == "__main__":
    import jax
    _d = setup_inputs()
    print(jax.jit(kernel)(*tuple(_d.values())))

</pallas_src>

<mosaic_0001>
#map = affine_map<(d0, d1) -> (0, 0)>
#map1 = affine_map<(d0, d1) -> (0)>
module attributes {stable_mosaic.version = 14 : i64} {
  func.func @_sc_gather(%arg0: i32, %arg1: i32, %arg2: memref<8192x128xf32, #tpu.memory_space<hbm>>, %arg3: memref<8192xi32, #tpu.memory_space<hbm>>, %arg4: memref<8192x128xf32, #tpu.memory_space<hbm>>, %arg5: memref<256xi32, #tpu.memory_space<vmem>>, %arg6: memref<256x128xf32, #tpu.memory_space<vmem>>, %arg7: memref<!tpu.dma_semaphore, #tpu.memory_space<semaphore_mem>>) attributes {dimension_semantics = [#tpu.dimension_semantics<core_parallel>, #tpu.dimension_semantics<subcore_parallel>], iteration_bounds = array<i64: 2, 16>, scalar_prefetch = 0 : i64, scratch_operands = 3 : i64, tpu.core_type = #tpu.core_type<sc_vector_subcore>, window_params = [{transform_indices = #map}, {transform_indices = #map1}, {transform_indices = #map}]} {
    %mul3A = arith.constant 2 : i32
    %mul3A_0 = arith.muli %arg1, %mul3A : i32
    %add3A = arith.addi %mul3A_0, %arg0 : i32
    %mul3A_1 = arith.constant 256 : i32
    %mul3A_2 = arith.muli %add3A, %mul3A_1 : i32
    "tpu.region"() ({
      %run_scoped3A = tpu.sem_alloc : memref<!tpu.dma_semaphore, #tpu.memory_space<semaphore_mem>>
      %dma_start3A_33 = tpu.memref_slice %arg3[%mul3A_2] : memref<8192xi32, #tpu.memory_space<hbm>> -> memref<256xi32, #tpu.memory_space<hbm>>
      %dma_start3A_34 = tpu.memref_slice %arg3[%mul3A_2] : memref<8192xi32, #tpu.memory_space<hbm>> -> memref<256xi32, #tpu.memory_space<hbm>>
      tpu.enqueue_dma source(%dma_start3A_34 : memref<256xi32, #tpu.memory_space<hbm>>) target(%arg5 : memref<256xi32, #tpu.memory_space<vmem>>) target_semaphore(%run_scoped3A : memref<!tpu.dma_semaphore, #tpu.memory_space<semaphore_mem>>)
      %dma_wait3A_35 = tpu.memref_slice %arg3[%mul3A_2] : memref<8192xi32, #tpu.memory_space<hbm>> -> memref<256xi32, #tpu.memory_space<hbm>>
      %dma_wait3A_36 = tpu.memref_slice %arg3[%mul3A_2] : memref<8192xi32, #tpu.memory_space<hbm>> -> memref<256xi32, #tpu.memory_space<hbm>>
      tpu.wait_dma2 semaphore(%run_scoped3A : memref<!tpu.dma_semaphore, #tpu.memory_space<semaphore_mem>>) src(%dma_wait3A_36 : memref<256xi32, #tpu.memory_space<hbm>>) dst(%arg5 : memref<256xi32, #tpu.memory_space<vmem>>)
      tpu.yield
    }) : () -> ()
    %dma_start3A = arith.constant 0 : i32
    %dma_start3A_3 = arith.constant 0 : i32
    %dma_start3A_4 = tpu.memref_slice %arg6[%dma_start3A, %dma_start3A_3] : memref<256x128xf32, #tpu.memory_space<vmem>> -> memref<128x128xf32, #tpu.memory_space<vmem>>
    %dma_start3A_5 = arith.constant 0 : i32
    %dma_start3A_6 = tpu.memref_slice %arg5[%dma_start3A_5] : memref<256xi32, #tpu.memory_space<vmem>> -> memref<128xi32, #tpu.memory_space<vmem>>
    %dma_start3A_7 = arith.constant 0 : i32
    %dma_start3A_8 = arith.constant 0 : i32
    %dma_start3A_9 = tpu.memref_slice %arg2[%dma_start3A_7, %dma_start3A_8] : memref<8192x128xf32, #tpu.memory_space<hbm>> -> memref<8192x128xf32, #tpu.memory_space<hbm>>
    tpu.enqueue_indirect_dma source(%dma_start3A_9 : memref<8192x128xf32, #tpu.memory_space<hbm>>) target(%dma_start3A_4 : memref<128x128xf32, #tpu.memory_space<vmem>>) offsets(%dma_start3A_6 : memref<128xi32, #tpu.memory_space<vmem>>) semaphore(%arg7 : memref<!tpu.dma_semaphore, #tpu.memory_space<semaphore_mem>>)
    %dma_start3A_10 = arith.constant 128 : i32
    %dma_start3A_11 = arith.constant 0 : i32
    %dma_start3A_12 = tpu.memref_slice %arg6[%dma_start3A_10, %dma_start3A_11] : memref<256x128xf32, #tpu.memory_space<vmem>> -> memref<128x128xf32, #tpu.memory_space<vmem>>
    %dma_start3A_13 = arith.constant 128 : i32
    %dma_start3A_14 = tpu.memref_slice %arg5[%dma_start3A_13] : memref<256xi32, #tpu.memory_space<vmem>> -> memref<128xi32, #tpu.memory_space<vmem>>
    %dma_start3A_15 = arith.constant 0 : i32
    %dma_start3A_16 = arith.constant 0 : i32
    %dma_start3A_17 = tpu.memref_slice %arg2[%dma_start3A_15, %dma_start3A_16] : memref<8192x128xf32, #tpu.memory_space<hbm>> -> memref<8192x128xf32, #tpu.memory_space<hbm>>
    tpu.enqueue_indirect_dma source(%dma_start3A_17 : memref<8192x128xf32, #tpu.memory_space<hbm>>) target(%dma_start3A_12 : memref<128x128xf32, #tpu.memory_space<vmem>>) offsets(%dma_start3A_14 : memref<128xi32, #tpu.memory_space<vmem>>) semaphore(%arg7 : memref<!tpu.dma_semaphore, #tpu.memory_space<semaphore_mem>>)
    %dma_wait3A = arith.constant 0 : i32
    %dma_wait3A_18 = arith.constant 0 : i32
    %dma_wait3A_19 = tpu.memref_slice %arg6[%dma_wait3A, %dma_wait3A_18] : memref<256x128xf32, #tpu.memory_space<vmem>> -> memref<128x128xf32, #tpu.memory_space<vmem>>
    %dma_wait3A_20 = arith.constant 0 : i32
    %dma_wait3A_21 = tpu.memref_slice %arg5[%dma_wait3A_20] : memref<256xi32, #tpu.memory_space<vmem>> -> memref<128xi32, #tpu.memory_space<vmem>>
    %dma_wait3A_22 = arith.constant 0 : i32
    %dma_wait3A_23 = arith.constant 0 : i32
    %dma_wait3A_24 = tpu.memref_slice %arg2[%dma_wait3A_22, %dma_wait3A_23] : memref<8192x128xf32, #tpu.memory_space<hbm>> -> memref<8192x128xf32, #tpu.memory_space<hbm>>
    tpu.wait_indirect_dma semaphore(%arg7 : memref<!tpu.dma_semaphore, #tpu.memory_space<semaphore_mem>>) src(%dma_wait3A_24 : memref<8192x128xf32, #tpu.memory_space<hbm>>) dst(%dma_wait3A_19 : memref<128x128xf32, #tpu.memory_space<vmem>>)
    %dma_wait3A_25 = arith.constant 128 : i32
    %dma_wait3A_26 = arith.constant 0 : i32
    %dma_wait3A_27 = tpu.memref_slice %arg6[%dma_wait3A_25, %dma_wait3A_26] : memref<256x128xf32, #tpu.memory_space<vmem>> -> memref<128x128xf32, #tpu.memory_space<vmem>>
    %dma_wait3A_28 = arith.constant 128 : i32
    %dma_wait3A_29 = tpu.memref_slice %arg5[%dma_wait3A_28] : memref<256xi32, #tpu.memory_space<vmem>> -> memref<128xi32, #tpu.memory_space<vmem>>
    %dma_wait3A_30 = arith.constant 0 : i32
    %dma_wait3A_31 = arith.constant 0 : i32
    %dma_wait3A_32 = tpu.memref_slice %arg2[%dma_wait3A_30, %dma_wait3A_31] : memref<8192x128xf32, #tpu.memory_space<hbm>> -> memref<8192x128xf32, #tpu.memory_space<hbm>>
    tpu.wait_indirect_dma semaphore(%arg7 : memref<!tpu.dma_semaphore, #tpu.memory_space<semaphore_mem>>) src(%dma_wait3A_32 : memref<8192x128xf32, #tpu.memory_space<hbm>>) dst(%dma_wait3A_27 : memref<128x128xf32, #tpu.memory_space<vmem>>)
    "tpu.region"() ({
      %run_scoped3A = tpu.sem_alloc : memref<!tpu.dma_semaphore, #tpu.memory_space<semaphore_mem>>
      %dma_start3A_33 = arith.constant 0 : i32
      %dma_start3A_34 = tpu.memref_slice %arg4[%mul3A_2, %dma_start3A_33] : memref<8192x128xf32, #tpu.memory_space<hbm>> -> memref<256x128xf32, #tpu.memory_space<hbm>>
      %dma_start3A_35 = arith.constant 0 : i32
      %dma_start3A_36 = tpu.memref_slice %arg4[%mul3A_2, %dma_start3A_35] : memref<8192x128xf32, #tpu.memory_space<hbm>> -> memref<256x128xf32, #tpu.memory_space<hbm>>
      tpu.enqueue_dma source(%arg6 : memref<256x128xf32, #tpu.memory_space<vmem>>) target(%dma_start3A_36 : memref<256x128xf32, #tpu.memory_space<hbm>>) target_semaphore(%run_scoped3A : memref<!tpu.dma_semaphore, #tpu.memory_space<semaphore_mem>>)
      %dma_wait3A_37 = arith.constant 0 : i32
      %dma_wait3A_38 = tpu.memref_slice %arg4[%mul3A_2, %dma_wait3A_37] : memref<8192x128xf32, #tpu.memory_space<hbm>> -> memref<256x128xf32, #tpu.memory_space<hbm>>
      %dma_wait3A_39 = arith.constant 0 : i32
      %dma_wait3A_40 = tpu.memref_slice %arg4[%mul3A_2, %dma_wait3A_39] : memref<8192x128xf32, #tpu.memory_space<hbm>> -> memref<256x128xf32, #tpu.memory_space<hbm>>
      tpu.wait_dma2 semaphore(%run_scoped3A : memref<!tpu.dma_semaphore, #tpu.memory_space<semaphore_mem>>) src(%arg6 : memref<256x128xf32, #tpu.memory_space<vmem>>) dst(%dma_wait3A_40 : memref<256x128xf32, #tpu.memory_space<hbm>>)
      tpu.yield
    }) : () -> ()
    return
  }
}

module attributes {stable_mosaic.version = 14 : i64} {
  func.func @_tc_body(%arg0: i32, %arg1: memref<1024x1xf32, #tpu.memory_space<vmem>>, %arg2: memref<1x8192xf32, #tpu.memory_space<vmem>>, %arg3: memref<1024x32xbf16, #tpu.memory_space<vmem>>, %arg4: memref<8192x32xf32, #tpu.memory_space<vmem>>, %arg5: memref<1024x1xi32, #tpu.memory_space<vmem>>, %arg6: memref<1x1xf32, #tpu.memory_space<vmem>>) attributes {dimension_semantics = [#tpu.dimension_semantics<arbitrary>], iteration_bounds = array<i64: 8>, scalar_prefetch = 0 : i64, scratch_operands = 0 : i64, tpu.core_type = #tpu.core_type<tc>, window_params = [{transform_indices = @transform_0, window_bounds = array<i64: 1024, 1>}, {pipeline_mode = #tpu.pipeline_mode<synchronous>, transform_indices = @transform_1, window_bounds = array<i64: 1, 8192>}, {transform_indices = @transform_2, window_bounds = array<i64: 1024, 32>}, {pipeline_mode = #tpu.pipeline_mode<synchronous>, transform_indices = @transform_3, window_bounds = array<i64: 8192, 32>}, {transform_indices = @transform_4, window_bounds = array<i64: 1024, 1>}, {pipeline_mode = #tpu.pipeline_mode<synchronous>, transform_indices = @transform_5, window_bounds = array<i64: 1, 1>}]} {
    %get3A = arith.constant 0 : index
    %get3A_0 = arith.constant 0 : index
    %get3A_1 = vector.load %arg3[%get3A, %get3A_0] : memref<1024x32xbf16, #tpu.memory_space<vmem>>, vector<1024x32xbf16>
    %get3A_2 = arith.constant 0 : index
    %get3A_3 = arith.constant 0 : index
    %get3A_4 = vector.load %arg1[%get3A_2, %get3A_3] : memref<1024x1xf32, #tpu.memory_space<vmem>>, vector<1024x1xf32>
    %broadcast_in_dim3A = arith.constant 0x7F800000 : f32
    %broadcast_in_dim3A_5 = vector.broadcast %broadcast_in_dim3A : f32 to vector<1024x1xf32>
    %broadcast_in_dim3A_6 = arith.constant 0 : i32
    %broadcast_in_dim3A_7 = vector.broadcast %broadcast_in_dim3A_6 : i32 to vector<1024x1xi32>
    %broadcast_in_dim3A_8 = arith.constant 0x7F800000 : f32
    %broadcast_in_dim3A_9 = vector.broadcast %broadcast_in_dim3A_8 : f32 to vector<1024x1xf32>
    %iota3A = tpu.iota {dimensions = array<i32: 1>} : vector<1024x2048xi32>
    %convert_element_type3A = arith.sitofp %iota3A : vector<1024x2048xi32> to vector<1024x2048xf32>
    %get3A_10 = arith.constant 0 : index
    %get3A_11 = arith.constant 0 : index
    %get3A_12 = vector.load %arg4[%get3A_10, %get3A_11] : memref<8192x32xf32, #tpu.memory_space<vmem>>, vector<2048x32xf32>
    %get3A_13 = arith.constant 0 : index
    %get3A_14 = arith.constant 0 : index
    %get3A_15 = vector.load %arg2[%get3A_13, %get3A_14] : memref<1x8192xf32, #tpu.memory_space<vmem>>, vector<1x2048xf32>
    %dot_general3A = arith.constant dense<0.000000e+00> : vector<1024x2048xf32>
    %dot_general3A_16 = tpu.matmul %get3A_1, %get3A_12, %dot_general3A {dimension_numbers = #tpu.dot_dimension_numbers<[1], [1], [0], [0], [0, 0, 1, 0], [], []>, transpose_lhs_hint = false} : vector<1024x32xbf16>, vector<2048x32xf32>, vector<1024x2048xf32> -> vector<1024x2048xf32>
    %add3A = vector.broadcast %get3A_4 : vector<1024x1xf32> to vector<1024x2048xf32>
    %add3A_17 = arith.addf %add3A, %dot_general3A_16 : vector<1024x2048xf32>
    %add3A_18 = vector.broadcast %get3A_15 : vector<1x2048xf32> to vector<1024x2048xf32>
    %add3A_19 = arith.addf %add3A_17, %add3A_18 : vector<1024x2048xf32>
    %reduce_min3A = arith.constant dense<0x7F800000> : vector<1024xf32>
    %reduce_min3A_20 = vector.multi_reduction <minimumf>, %add3A_19, %reduce_min3A [1] : vector<1024x2048xf32> to vector<1024xf32>
    %broadcast_in_dim3A_21 = vector.shape_cast %reduce_min3A_20 : vector<1024xf32> to vector<1024x1xf32>
    %eq3A = vector.broadcast %broadcast_in_dim3A_21 : vector<1024x1xf32> to vector<1024x2048xf32>
    %eq3A_22 = arith.cmpf oeq, %add3A_19, %eq3A : vector<1024x2048xf32>
    %jit3A = arith.constant 1.07374182E+9 : f32
    %broadcast_in_dim3A_23 = vector.broadcast %jit3A : f32 to vector<1024x2048xf32>
    %select_n3A = arith.select %eq3A_22, %convert_element_type3A, %broadcast_in_dim3A_23 : vector<1024x2048xi1>, vector<1024x2048xf32>
    %reduce_min3A_24 = arith.constant dense<0x7F800000> : vector<1024xf32>
    %reduce_min3A_25 = vector.multi_reduction <minimumf>, %select_n3A, %reduce_min3A_24 [1] : vector<1024x2048xf32> to vector<1024xf32>
    %broadcast_in_dim3A_26 = vector.shape_cast %reduce_min3A_25 : vector<1024xf32> to vector<1024x1xf32>
    %convert_element_type3A_27 = arith.fptosi %broadcast_in_dim3A_26 : vector<1024x1xf32> to vector<1024x1xi32>
    %lt3A = arith.cmpf olt, %broadcast_in_dim3A_21, %broadcast_in_dim3A_5 : vector<1024x1xf32>
    %add3A_28 = arith.constant 0 : i32
    %add3A_29 = vector.broadcast %add3A_28 : i32 to vector<1024x1xi32>
    %add3A_30 = arith.addi %convert_element_type3A_27, %add3A_29 : vector<1024x1xi32>
    %select_n3A_31 = arith.select %lt3A, %add3A_30, %broadcast_in_dim3A_7 : vector<1024x1xi1>, vector<1024x1xi32>
    %convert_element_type3A_32 = arith.truncf %broadcast_in_dim3A_21 : vector<1024x1xf32> to vector<1024x1xbf16>
    %convert_element_type3A_33 = arith.extf %convert_element_type3A_32 : vector<1024x1xbf16> to vector<1024x1xf32>
    %select_n3A_34 = arith.select %lt3A, %convert_element_type3A_33, %broadcast_in_dim3A_5 : vector<1024x1xi1>, vector<1024x1xf32>
    %min3A = arith.minimumf %broadcast_in_dim3A_9, %broadcast_in_dim3A_21 : vector<1024x1xf32>
    %get3A_35 = arith.constant 2048 : index
    %get3A_36 = arith.constant 0 : index
    %get3A_37 = vector.load %arg4[%get3A_35, %get3A_36] : memref<8192x32xf32, #tpu.memory_space<vmem>>, vector<2048x32xf32>
    %get3A_38 = arith.constant 0 : index
    %get3A_39 = arith.constant 2048 : index
    %get3A_40 = vector.load %arg2[%get3A_38, %get3A_39] : memref<1x8192xf32, #tpu.memory_space<vmem>>, vector<1x2048xf32>
    %dot_general3A_41 = arith.constant dense<0.000000e+00> : vector<1024x2048xf32>
    %dot_general3A_42 = tpu.matmul %get3A_1, %get3A_37, %dot_general3A_41 {dimension_numbers = #tpu.dot_dimension_numbers<[1], [1], [0], [0], [0, 0, 1, 0], [], []>, transpose_lhs_hint = false} : vector<1024x32xbf16>, vector<2048x32xf32>, vector<1024x2048xf32> -> vector<1024x2048xf32>
    %add3A_43 = vector.broadcast %get3A_4 : vector<1024x1xf32> to vector<1024x2048xf32>
    %add3A_44 = arith.addf %add3A_43, %dot_general3A_42 : vector<1024x2048xf32>
    %add3A_45 = vector.broadcast %get3A_40 : vector<1x2048xf32> to vector<1024x2048xf32>
    %add3A_46 = arith.addf %add3A_44, %add3A_45 : vector<1024x2048xf32>
    %reduce_min3A_47 = arith.constant dense<0x7F800000> : vector<1024xf32>
    %reduce_min3A_48 = vector.multi_reduction <minimumf>, %add3A_46, %reduce_min3A_47 [1] : vector<1024x2048xf32> to vector<1024xf32>
    %broadcast_in_dim3A_49 = vector.shape_cast %reduce_min3A_48 : vector<1024xf32> to vector<1024x1xf32>
    %eq3A_50 = vector.broadcast %broadcast_in_dim3A_49 : vector<1024x1xf32> to vector<1024x2048xf32>
    %eq3A_51 = arith.cmpf oeq, %add3A_46, %eq3A_50 : vector<1024x2048xf32>
    %jit3A_52 = arith.constant 1.07374182E+9 : f32
    %broadcast_in_dim3A_53 = vector.broadcast %jit3A_52 : f32 to vector<1024x2048xf32>
    %select_n3A_54 = arith.select %eq3A_51, %convert_element_type3A, %broadcast_in_dim3A_53 : vector<1024x2048xi1>, vector<1024x2048xf32>
    %reduce_min3A_55 = arith.constant dense<0x7F800000> : vector<1024xf32>
    %reduce_min3A_56 = vector.multi_reduction <minimumf>, %select_n3A_54, %reduce_min3A_55 [1] : vector<1024x2048xf32> to vector<1024xf32>
    %broadcast_in_dim3A_57 = vector.shape_cast %reduce_min3A_56 : vector<1024xf32> to vector<1024x1xf32>
    %convert_element_type3A_58 = arith.fptosi %broadcast_in_dim3A_57 : vector<1024x1xf32> to vector<1024x1xi32>
    %lt3A_59 = arith.cmpf olt, %broadcast_in_dim3A_49, %select_n3A_34 : vector<1024x1xf32>
    %add3A_60 = arith.constant 2048 : i32
    %add3A_61 = vector.broadcast %add3A_60 : i32 to vector<1024x1xi32>
    %add3A_62 = arith.addi %convert_element_type3A_58, %add3A_61 : vector<1024x1xi32>
    %select_n3A_63 = arith.select %lt3A_59, %add3A_62, %select_n3A_31 : vector<1024x1xi1>, vector<1024x1xi32>
    %convert_element_type3A_64 = arith.truncf %broadcast_in_dim3A_49 : vector<1024x1xf32> to vector<1024x1xbf16>
    %convert_element_type3A_65 = arith.extf %convert_element_type3A_64 : vector<1024x1xbf16> to vector<1024x1xf32>
    %select_n3A_66 = arith.select %lt3A_59, %convert_element_type3A_65, %select_n3A_34 : vector<1024x1xi1>, vector<1024x1xf32>
    %min3A_67 = arith.minimumf %min3A, %broadcast_in_dim3A_49 : vector<1024x1xf32>
    %get3A_68 = arith.constant 4096 : index
    %get3A_69 = arith.constant 0 : index
    %get3A_70 = vector.load %arg4[%get3A_68, %get3A_69] : memref<8192x32xf32, #tpu.memory_space<vmem>>, vector<2048x32xf32>
    %get3A_71 = arith.constant 0 : index
    %get3A_72 = arith.constant 4096 : index
    %get3A_73 = vector.load %arg2[%get3A_71, %get3A_72] : memref<1x8192xf32, #tpu.memory_space<vmem>>, vector<1x2048xf32>
    %dot_general3A_74 = arith.constant dense<0.000000e+00> : vector<1024x2048xf32>
    %dot_general3A_75 = tpu.matmul %get3A_1, %get3A_70, %dot_general3A_74 {dimension_numbers = #tpu.dot_dimension_numbers<[1], [1], [0], [0], [0, 0, 1, 0], [], []>, transpose_lhs_hint = false} : vector<1024x32xbf16>, vector<2048x32xf32>, vector<1024x2048xf32> -> vector<1024x2048xf32>
    %add3A_76 = vector.broadcast %get3A_4 : vector<1024x1xf32> to vector<1024x2048xf32>
    %add3A_77 = arith.addf %add3A_76, %dot_general3A_75 : vector<1024x2048xf32>
    %add3A_78 = vector.broadcast %get3A_73 : vector<1x2048xf32> to vector<1024x2048xf32>
    %add3A_79 = arith.addf %add3A_77, %add3A_78 : vector<1024x2048xf32>
    %reduce_min3A_80 = arith.constant dense<0x7F800000> : vector<1024xf32>
    %reduce_min3A_81 = vector.multi_reduction <minimumf>, %add3A_79, %reduce_min3A_80 [1] : vector<1024x2048xf32> to vector<1024xf32>
    %broadcast_in_dim3A_82 = vector.shape_cast %reduce_min3A_81 : vector<1024xf32> to vector<1024x1xf32>
    %eq3A_83 = vector.broadcast %broadcast_in_dim3A_82 : vector<1024x1xf32> to vector<1024x2048xf32>
    %eq3A_84 = arith.cmpf oeq, %add3A_79, %eq3A_83 : vector<1024x2048xf32>
    %jit3A_85 = arith.constant 1.07374182E+9 : f32
    %broadcast_in_dim3A_86 = vector.broadcast %jit3A_85 : f32 to vector<1024x2048xf32>
    %select_n3A_87 = arith.select %eq3A_84, %convert_element_type3A, %broadcast_in_dim3A_86 : vector<1024x2048xi1>, vector<1024x2048xf32>
    %reduce_min3A_88 = arith.constant dense<0x7F800000> : vector<1024xf32>
    %reduce_min3A_89 = vector.multi_reduction <minimumf>, %select_n3A_87, %reduce_min3A_88 [1] : vector<1024x2048xf32> to vector<1024xf32>
    %broadcast_in_dim3A_90 = vector.shape_cast %reduce_min3A_89 : vector<1024xf32> to vector<1024x1xf32>
    %convert_element_type3A_91 = arith.fptosi %broadcast_in_dim3A_90 : vector<1024x1xf32> to vector<1024x1xi32>
    %lt3A_92 = arith.cmpf olt, %broadcast_in_dim3A_82, %select_n3A_66 : vector<1024x1xf32>
    %add3A_93 = arith.constant 4096 : i32
    %add3A_94 = vector.broadcast %add3A_93 : i32 to vector<1024x1xi32>
    %add3A_95 = arith.addi %convert_element_type3A_91, %add3A_94 : vector<1024x1xi32>
    %select_n3A_96 = arith.select %lt3A_92, %add3A_95, %select_n3A_63 : vector<1024x1xi1>, vector<1024x1xi32>
    %convert_element_type3A_97 = arith.truncf %broadcast_in_dim3A_82 : vector<1024x1xf32> to vector<1024x1xbf16>
    %convert_element_type3A_98 = arith.extf %convert_element_type3A_97 : vector<1024x1xbf16> to vector<1024x1xf32>
    %select_n3A_99 = arith.select %lt3A_92, %convert_element_type3A_98, %select_n3A_66 : vector<1024x1xi1>, vector<1024x1xf32>
    %min3A_100 = arith.minimumf %min3A_67, %broadcast_in_dim3A_82 : vector<1024x1xf32>
    %get3A_101 = arith.constant 6144 : index
    %get3A_102 = arith.constant 0 : index
    %get3A_103 = vector.load %arg4[%get3A_101, %get3A_102] : memref<8192x32xf32, #tpu.memory_space<vmem>>, vector<2048x32xf32>
    %get3A_104 = arith.constant 0 : index
    %get3A_105 = arith.constant 6144 : index
    %get3A_106 = vector.load %arg2[%get3A_104, %get3A_105] : memref<1x8192xf32, #tpu.memory_space<vmem>>, vector<1x2048xf32>
    %dot_general3A_107 = arith.constant dense<0.000000e+00> : vector<1024x2048xf32>
    %dot_general3A_108 = tpu.matmul %get3A_1, %get3A_103, %dot_general3A_107 {dimension_numbers = #tpu.dot_dimension_numbers<[1], [1], [0], [0], [0, 0, 1, 0], [], []>, transpose_lhs_hint = false} : vector<1024x32xbf16>, vector<2048x32xf32>, vector<1024x2048xf32> -> vector<1024x2048xf32>
    %add3A_109 = vector.broadcast %get3A_4 : vector<1024x1xf32> to vector<1024x2048xf32>
    %add3A_110 = arith.addf %add3A_109, %dot_general3A_108 : vector<1024x2048xf32>
    %add3A_111 = vector.broadcast %get3A_106 : vector<1x2048xf32> to vector<1024x2048xf32>
    %add3A_112 = arith.addf %add3A_110, %add3A_111 : vector<1024x2048xf32>
    %reduce_min3A_113 = arith.constant dense<0x7F800000> : vector<1024xf32>
    %reduce_min3A_114 = vector.multi_reduction <minimumf>, %add3A_112, %reduce_min3A_113 [1] : vector<1024x2048xf32> to vector<1024xf32>
    %broadcast_in_dim3A_115 = vector.shape_cast %reduce_min3A_114 : vector<1024xf32> to vector<1024x1xf32>
    %eq3A_116 = vector.broadcast %broadcast_in_dim3A_115 : vector<1024x1xf32> to vector<1024x2048xf32>
    %eq3A_117 = arith.cmpf oeq, %add3A_112, %eq3A_116 : vector<1024x2048xf32>
    %jit3A_118 = arith.constant 1.07374182E+9 : f32
    %broadcast_in_dim3A_119 = vector.broadcast %jit3A_118 : f32 to vector<1024x2048xf32>
    %select_n3A_120 = arith.select %eq3A_117, %convert_element_type3A, %broadcast_in_dim3A_119 : vector<1024x2048xi1>, vector<1024x2048xf32>
    %reduce_min3A_121 = arith.constant dense<0x7F800000> : vector<1024xf32>
    %reduce_min3A_122 = vector.multi_reduction <minimumf>, %select_n3A_120, %reduce_min3A_121 [1] : vector<1024x2048xf32> to vector<1024xf32>
    %broadcast_in_dim3A_123 = vector.shape_cast %reduce_min3A_122 : vector<1024xf32> to vector<1024x1xf32>
    %convert_element_type3A_124 = arith.fptosi %broadcast_in_dim3A_123 : vector<1024x1xf32> to vector<1024x1xi32>
    %lt3A_125 = arith.cmpf olt, %broadcast_in_dim3A_115, %select_n3A_99 : vector<1024x1xf32>
    %add3A_126 = arith.constant 6144 : i32
    %add3A_127 = vector.broadcast %add3A_126 : i32 to vector<1024x1xi32>
    %add3A_128 = arith.addi %convert_element_type3A_124, %add3A_127 : vector<1024x1xi32>
    %select_n3A_129 = arith.select %lt3A_125, %add3A_128, %select_n3A_96 : vector<1024x1xi1>, vector<1024x1xi32>
    %min3A_130 = arith.minimumf %min3A_100, %broadcast_in_dim3A_115 : vector<1024x1xf32>
    %swap3A = arith.constant 0 : index
    %swap3A_131 = arith.constant 0 : index
    %swap3A_132 = vector.load %arg5[%swap3A, %swap3A_131] : memref<1024x1xi32, #tpu.memory_space<vmem>>, vector<1024x1xi32>
    tpu.vector_store %arg5[%swap3A, %swap3A_131], %select_n3A_129 {strides = array<i32>} : memref<1024x1xi32, #tpu.memory_space<vmem>>, vector<1024x1xi32>,
    %reduce_sum3A = vector.shape_cast %min3A_130 : vector<1024x1xf32> to vector<1x1024x1xf32>
    %reduce_sum3A_133 = arith.constant dense<0.000000e+00> : vector<1xf32>
    %reduce_sum3A_134 = vector.multi_reduction <add>, %reduce_sum3A, %reduce_sum3A_133 [1, 2] : vector<1x1024x1xf32> to vector<1xf32>
    %reduce_sum3A_135 = vector.shape_cast %reduce_sum3A_134 : vector<1xf32> to vector<1x1x1xf32>
    %reduce_sum3A_136 = vector.extract %reduce_sum3A_135[0, 0, 0] : f32 from vector<1x1x1xf32>
    %broadcast_in_dim3A_137 = vector.broadcast %reduce_sum3A_136 : f32 to vector<1x1xf32>
    %eq3A_138 = arith.constant 0 : i32
    %eq3A_139 = arith.cmpi eq, %arg0, %eq3A_138 : i32
    %convert_element_type3A_140 = arith.extui %eq3A_139 : i1 to i32
    %cond3A = arith.constant 0 : i32
    %cond3A_141 = arith.cmpi ne, %convert_element_type3A_140, %cond3A : i32
    scf.if %cond3A_141 {
      %swap3A_146 = arith.constant 0 : index
      %swap3A_147 = arith.constant 0 : index
      %swap3A_148 = vector.load %arg6[%swap3A_146, %swap3A_147] : memref<1x1xf32, #tpu.memory_space<vmem>>, vector<1x1xf32>
      tpu.vector_store %arg6[%swap3A_146, %swap3A_147], %broadcast_in_dim3A_137 {strides = array<i32>} : memref<1x1xf32, #tpu.memory_space<vmem>>, vector<1x1xf32>,
    } else {
    }
    %ne3A = arith.constant 0 : i32
    %ne3A_142 = arith.cmpi ne, %arg0, %ne3A : i32
    %convert_element_type3A_143 = arith.extui %ne3A_142 : i1 to i32
    %cond3A_144 = arith.constant 0 : i32
    %cond3A_145 = arith.cmpi ne, %convert_element_type3A_143, %cond3A_144 : i32
    scf.if %cond3A_145 {
      %get3A_146 = arith.constant 0 : index
      %get3A_147 = arith.constant 0 : index
      %get3A_148 = vector.load %arg6[%get3A_146, %get3A_147] : memref<1x1xf32, #tpu.memory_space<vmem>>, vector<1x1xf32>
      %add3A_149 = arith.addf %get3A_148, %broadcast_in_dim3A_137 : vector<1x1xf32>
      %swap3A_150 = arith.constant 0 : index
      %swap3A_151 = arith.constant 0 : index
      %swap3A_152 = vector.load %arg6[%swap3A_150, %swap3A_151] : memref<1x1xf32, #tpu.memory_space<vmem>>, vector<1x1xf32>
      tpu.vector_store %arg6[%swap3A_150, %swap3A_151], %add3A_149 {strides = array<i32>} : memref<1x1xf32, #tpu.memory_space<vmem>>, vector<1x1xf32>,
    } else {
    }
    return
  }
  func.func @transform_0(%arg0: i32) -> (i32, i32) {
    %c0_i32 = arith.constant 0 : i32
    %c0_i32_0 = arith.constant 0 : i32
    return %arg0, %c0_i32 : i32, i32
  }
  func.func @transform_1(%arg0: i32) -> (i32, i32) {
    %c0_i32 = arith.constant 0 : i32
    %c0_i32_0 = arith.constant 0 : i32
    %c0_i32_1 = arith.constant 0 : i32
    return %c0_i32, %c0_i32_0 : i32, i32
  }
  func.func @transform_2(%arg0: i32) -> (i32, i32) {
    %c0_i32 = arith.constant 0 : i32
    %c0_i32_0 = arith.constant 0 : i32
    return %arg0, %c0_i32 : i32, i32
  }
  func.func @transform_3(%arg0: i32) -> (i32, i32) {
    %c0_i32 = arith.constant 0 : i32
    %c0_i32_0 = arith.constant 0 : i32
    %c0_i32_1 = arith.constant 0 : i32
    return %c0_i32, %c0_i32_0 : i32, i32
  }
  func.func @transform_4(%arg0: i32) -> (i32, i32) {
    %c0_i32 = arith.constant 0 : i32
    %c0_i32_0 = arith.constant 0 : i32
    return %arg0, %c0_i32 : i32, i32
  }
  func.func @transform_5(%arg0: i32) -> (i32, i32) {
    %c0_i32 = arith.constant 0 : i32
    %c0_i32_0 = arith.constant 0 : i32
    %c0_i32_1 = arith.constant 0 : i32
    return %c0_i32, %c0_i32_0 : i32, i32
  }
}

</mosaic_0001>

<sc_bundles>
// kernel: kernel.4.cloned.1.call-start
scs
__scs_entry_jumppad:
0x0: {  	(pc) =	sbr.rel $0x88, $3  }
0x1: {  	(tag) =	ssettag $0x0;
	lr =	simm.s32 $0x1  }
0x2: {  	[smem:$0x3F9F] =	sst lr;
	_ =	strace $0xD0000000  }
0x3: {  	_ = 	snop  }
0x4: {  	_ = 	snop  }
0x5: {  	_ = 	snop  }
0x6: {  	_ = 	snop  }
0x7: {  	_ = 	snop  }
__scs_overlays_trampoline_lowered:
0x8: {  	[smem:$0x3FAE] =	sst s0  }
0x9: {  	[smem:$0x3FAF] =	sst s1  }
0xa: {  	[smem:$0x3FB0] =	sst s2  }
0xb: {  	[smem:$0x3FB1] =	sst s3  }
0xc: {  	[smem:$0x3FB2] =	sst s4  }
0xd: {  	[smem:$0x3FB3] =	sst s5  }
0xe: {  	[smem:$0x3FB4] =	sst s6  }
0xf: {  	[smem:$0x3FB5] =	sst s7  }
0x10: {  	[smem:$0x3FB6] =	sst s8  }
0x11: {  	[smem:$0x3FB7] =	sst s9;
	s0 =	simm.s32 @!p0 $0x0  }
0x12: {  	s1 =	sld [smem:$0x3F9D];
	s0 =	simm.s32 @p0 $0x1  }
0x13: {  	[smem:$0x3FB8] =	sst s0;
	s0 =	simm.s32 @!p1 $0x0  }
0x14: {  	s2 =	sld [smem:$0x3F9C];
	s0 =	simm.s32 @p1 $0x1  }
0x15: {  	[smem:$0x3FB9] =	sst s0;
	s0 =	simm.s32 @!p2 $0x0  }
0x16: {  	s3 =	sld [smem:$0x3FDB];
	s0 =	simm.s32 @p2 $0x1  }
0x17: {  	s4 =	simm.s32 $0x1BF5;
	[smem:$0x3FBB] =	sst s0  }
0x18: {  	s0 =	sld [smem:$0x3F9E];
	_ =	swait.ge [sflag:s4], $0x0  }
0x19: {  	s7 =	sld [smem:$0x3F9F]  }
0x1a: {  	s8 =	sadd.s32 $0xFFFFE003, lr  }
0x1b: {  	s9 =	sadd.s32 $0xFFFFFEF7, lr;
	s5 =	simm.s32 $0xFFFFFFFF;
	p2 =	slt.u32 s8, $0xFFFFF086  }
0x1c: {  	p1 =	slt.u32 s9, $0xF7A;
	s5 =	simm.s32 @!p2 $0x0  }
0x1d: {  	s5 =	simm.s32 @p1 $0x1;
	p0 =	seq.s32 s7, s2  }
0x1e: {  	s7 =	smul.u32 @!p0 $0xF7A, s2;
	p2 =	seq.s32 @!p0 s5, $0x0  }
0x1f: {  	s9 =	smul.u32 $0xF7A, s1;
	s8 =	simm.s32 @!p0 $0x1BF5;
	p2 =	por !p2, p0  }
0x20: {  	[sflag:s8] =	ssyncset.s32 @!p0 $0xFFFFF086;
	s6 =	sadd.s32 @!p0 s3, s7;
	s7 =	simm.s32 @!p0 $0x108  }
0x21: {  	s3 =	sadd.s32 s3, s9;
	s6 =	sadd.s32 @!p0 $0x88, s6;
	s7 =	simm.s32 @p2 $0x1082  }
0x22: {  	[simem:s7], [sflag:s8] =	dma.local @!p0 [hbm:s6], $0xF7A  }
0x23: {  	s9 =	sor.u32 $0xD0000000, s2;
	s6 =	simm.s32 $0x108;
	_ =	swait.ge @!p0 [sflag:s8], $0x0  }
0x24: {  	s3 =	sadd.s32 $0x88, s3;
	s6 =	simm.s32 @!p1 $0x1082;
	[sflag:s4] =	ssyncset.s32 $0xFFFFF086  }
0x25: {  	[simem:s6], [sflag:s4] =	dma.local [hbm:s3], $0xF7A  }
0x26: {  	[smem:$0x3F9F] =	sst s1;
	(tag) =	ssettag s2;
	_ =	strace s9  }
0x27: {  	s1 =	sld [smem:$0x3FAF]  }
0x28: {  	s2 =	sld [smem:$0x3FB0]  }
0x29: {  	s4 =	sld [smem:$0x3FB2]  }
0x2a: {  	p0 =	seq.s32 s5, $0x0;
	s5 =	sld [smem:$0x3FB3]  }
0x2b: {  	s6 =	sld [smem:$0x3FB4]  }
0x2c: {  	s7 =	sld [smem:$0x3FB5]  }
0x2d: {  	s3 =	simm.s32 $0x108;
	s8 =	sld [smem:$0x3FB6]  }
0x2e: {  	s3 =	simm.s32 @!p0 $0x1082;
	s9 =	sld [smem:$0x3FB7]  }
0x2f: {  	lr =	sadd.s32 s0, s3;
	s0 =	sld [smem:$0x3FAE]  }
0x30: {  	s3 =	sld [smem:$0x3FB1]  }
0x31: {  	[smem:$0x3FBA] =	sst s10  }
0x32: {  	s10 =	sld [smem:$0x3FB8];
	_ =	sdelay $0x3  }
0x33: {  	p0 =	seq.s32 s10, $0x1;
	s10 =	sld [smem:$0x3FBA];
	_ =	sdelay $0x3  }
0x34: {  	[smem:$0x3FBA] =	sst s10  }
0x35: {  	s10 =	sld [smem:$0x3FB9];
	_ =	sdelay $0x3  }
0x36: {  	p1 =	seq.s32 s10, $0x1;
	s10 =	sld [smem:$0x3FBA];
	_ =	sdelay $0x3  }
0x37: {  	[smem:$0x3FBA] =	sst s10  }
0x38: {  	s10 =	sld [smem:$0x3FBB]  }
0x39: {  	_ = 	snop;
	(pc) =	sbr.ind lr, $3  }
0x3a: {  	_ = 	snop  }
0x3b: {  	_ = 	snop  }
0x3c: {  	p2 =	seq.s32 s10, $0x1;
	s10 =	sld [smem:$0x3FBA]  }
0x3d: {  	_ =	shalt  }
0x3e: {  	_ =	shalt  }
0x3f: {  	_ =	shalt  }
0x40: {  	_ =	shalt  }
0x41: {  	_ =	shalt  }
0x42: {  	_ =	shalt  }
0x43: {  	_ =	shalt  }
0x44: {  	_ =	shalt  }
0x45: {  	_ =	shalt  }
0x46: {  	_ =	shalt  }
0x47: {  	_ =	shalt  }
0x48: {  	_ =	shalt  }
0x49: {  	_ =	shalt  }
0x4a: {  	_ =	shalt  }
0x4b: {  	_ =	shalt  }
0x4c: {  	_ =	shalt  }
0x4d: {  	_ =	shalt  }
0x4e: {  	_ =	shalt  }
0x4f: {  	_ =	shalt  }
0x50: {  	_ =	shalt  }
0x51: {  	_ =	shalt  }
0x52: {  	_ =	shalt  }
0x53: {  	_ =	shalt  }
0x54: {  	_ =	shalt  }
0x55: {  	_ =	shalt  }
0x56: {  	_ =	shalt  }
0x57: {  	_ =	shalt  }
0x58: {  	_ =	shalt  }
0x59: {  	_ =	shalt  }
0x5a: {  	_ =	shalt  }
0x5b: {  	_ =	shalt  }
0x5c: {  	_ =	shalt  }
0x5d: {  	_ =	shalt  }
0x5e: {  	_ =	shalt  }
0x5f: {  	_ =	shalt  }
0x60: {  	_ =	shalt  }
0x61: {  	_ =	shalt  }
0x62: {  	_ =	shalt  }
0x63: {  	_ =	shalt  }
0x64: {  	_ =	shalt  }
0x65: {  	_ =	shalt  }
0x66: {  	_ =	shalt  }
0x67: {  	_ =	shalt  }
0x68: {  	_ =	shalt  }
0x69: {  	_ =	shalt  }
0x6a: {  	_ =	shalt  }
0x6b: {  	_ =	shalt  }
0x6c: {  	_ =	shalt  }
0x6d: {  	_ =	shalt  }
0x6e: {  	_ =	shalt  }
0x6f: {  	_ =	shalt  }
0x70: {  	_ =	shalt  }
0x71: {  	_ =	shalt  }
0x72: {  	_ =	shalt  }
0x73: {  	_ =	shalt  }
0x74: {  	_ =	shalt  }
0x75: {  	_ =	shalt  }
0x76: {  	_ =	shalt  }
0x77: {  	_ =	shalt  }
0x78: {  	_ =	shalt  }
0x79: {  	_ =	shalt  }
0x7a: {  	_ =	shalt  }
0x7b: {  	_ =	shalt  }
0x7c: {  	_ =	shalt  }
0x7d: {  	_ =	shalt  }
0x7e: {  	_ =	shalt  }
0x7f: {  	_ =	shalt  }
0x80: {  	_ =	shalt  }
0x81: {  	_ =	shalt  }
0x82: {  	_ =	shalt  }
0x83: {  	_ =	shalt  }
0x84: {  	_ =	shalt  }
0x85: {  	_ =	shalt  }
0x86: {  	_ =	shalt  }
0x87: {  	_ =	shalt  }
.Lfunc_end0:
.L_simem_size_0:
called_computation_lowered:
.L_overlay_start_0:
0x88: {  	s2 =	sld [smem:$0x3FD9]  }
0x89: {  	s3 =	sld [smem:$0x3FFE];
	_ =	sdelay $0x1  }
0x8a: {  	s1 =	srdreg.scid  }
0x8b: {  	s0 =	sand.u32 $0x1, s1  }
0x8c: {  	s14 =	sshll.u32 s0, $0xA;
	s2 =	sadd.s32 s3, s2  }
0x8d: {  	s2 =	sadd.s32 s2, s14  }
0x8e: {  	[smem:$0x3FC6] =	sst s2  }
0x8f: {  	_ = 	snop  }
0x90: {  	s2 =	sld [smem:$0x3FD0];
	_ =	sdelay $0x2  }
0x91: {  	s15 =	simm.s32 $0xA;
	s4 =	simm.s32 $0x10  }
0x92: {  	[smem:s4], [sflag:s15] =	dma.local [hbm:s2], $0x1  }
0x93: {  	_ =	swait.eq [sflag:s15], $0x1  }
0x94: {  	[sflag:s15] =	ssyncset.done $0x0  }
0x95: {  	[sflag:s15] =	ssyncadd.s32 $0xFFFFFFFF  }
0x96: {  	s16 =	sld [smem:$0x13];
	(tm) =	ssettm $0x1  }
0x97: {  	s17 =	sld [smem:$0x3FFB];
	_ =	sdelay $0x3  }
0x98: {  	_ =	strace s17  }
0x99: {  	s3 =	sld [smem:$0x3FFC];
	_ =	sdelay $0x3  }
0x9a: {  	_ =	strace s3  }
0x9b: {  	s3 =	sld [smem:$0x3FFD];
	_ =	sdelay $0x3  }
0x9c: {  	_ =	strace s3  }
0x9d: {  	_ =	strace $0x8FFFFFFF  }
0x9e: {  	s18 =	sld [smem:$0x3FDB];
	_ =	sdelay $0x1  }
0x9f: {  	s19 =	simm.s32 $_scs_section_size  }
0xa0: {  	s5 =	simm.s32 $_size__tile_overlayer_lowered;
	s6 =	simm.s32 $_tile_overlayer_lowered  }
0xa1: {  	s22 =	simm.s32 $0x1BFF;
	s21 =	sshll.u32 s6, $0x1;
	s3 =	sadd.s32 s19, s18  }
0xa2: {  	s7 =	simm.s32 $0x0;
	s20 =	sshll.u32 s5, $0x1;
	s5 =	sadd.s32 s21, s3  }
0xa3: {  	[timem:s7], [sflag:s22] =	dma.local [hbm:s5], s20  }
0xa4: {  	_ =	swait.ge [sflag:s22], s20  }
0xa5: {  	s4 =	ssub.s32 $0x0, s20;
	[sflag:s22] =	ssyncset.done $0x0  }
0xa6: {  	[sflag:s22] =	ssyncadd.s32 s4;
	_ =	sdelay $0x1  }
0xa7: {  	s23 =	simm.s32 $0x1B8B  }
0xa8: {  	_ =	swait.ge [sflag:s23], $0x1  }
0xa9: {  	[sflag:s23] =	ssyncset.done $0x0  }
0xaa: {  	s25 =	simm.s32 $0x1B8E;
	s24 =	sld [smem:$0x3FFE];
	[sflag:s23] =	ssyncadd.s32 $0xFFFFFFFF  }
0xab: {  	s26 =	simm.s32 $execute0_lowered;
	[smem:$0x3FD2] =	sst s25  }
0xac: {  	s5 =	sshll.u32 s26, $0x1;
	_ =	strace $0x80000046;
	[dreg:$0x1] =	wrdreg $0xFFFFFFFF  }
0xad: {  	s28 =	simm.s32 $_size_execute0_lowered;
	s3 =	sadd.s32 s3, s5;
	[dreg:$0x0] =	wrdreg $0x0  }
0xae: {  	s5 =	sshll.u32 s28, $0x1;
	[dreg:$0x2] =	wrdreg s3  }
0xaf: {  	[dreg:$0x3] =	wrdreg s5  }
0xb0: {  	[dreg:$0x4] =	wrdreg $0xC0  }
0xb1: {  	_ =	task [dreg:s7], $0x5FFFF  }
0xb2: {  	[dreg:$0x1] =	wrdreg $0xFFFFFFFF  }
0xb3: {  	[dreg:$0x0] =	wrdreg $0x60  }
0xb4: {  	[dreg:$0x2] =	wrdreg s24  }
0xb5: {  	[dreg:$0x3] =	wrdreg s16  }
0xb6: {  	[dreg:$0x4] =	wrdreg $0x9  }
0xb7: {  	_ =	task.clear_ibuf [dreg:s7], $0x5FFFF;
	_ =	strace $0x90000046  }
0xb8: {  	s29 =	simm.s32 $0x9;
	_ =	strace $0x80000048  }
0xb9: {  	_ =	swait.ge [sflag:s29], $0x1  }
0xba: {  	[sflag:s29] =	ssyncadd.s32 $0xFFFFFFFF  }
0xbb: {  	_ =	strace $0x90000048  }
0xbc: {  	_ =	sfence  }
0xbd: {  	s30 =	sld [smem:$0x0];
	_ =	sdelay $0x2  }
0xbe: {  	s31 =	sshll.u32 s1, $0xD;
	s1 =	sshrl.u32 s1, $0x2  }
0xbf: {  	s3 =	sand.u32 $0x4000, s31;
	s1 =	sadd.s32 s1, s30  }
0xc0: {  	s0 =	sor.u32 s3, s0;
	s1 =	sshll.u32 s1, $0x11  }
0xc1: {  	s0 =	sor.u32 s1, s0  }
0xc2: {  	s0 =	sadd.s32 $0x8F2B, s0  }
0xc3: {  	[sflag:s0] =	ssyncadd.remote.s32 $0x1  }
0xc4: {  	_ =	sfence.sel $0xFFFF  }
0xc5: {  	[dreg:$0x0] =	wrdreg $0xFFFFFFFF;
	(pc) =	sbr.abs _section_cstart, $3  }
0xc6: {  	[dreg:$0x1] =	wrdreg $0xFFFFFFFF  }
0xc7: {  	_ =	task.clear_ibuf [dreg:s7], $0x2FFFF;
	_ =	strace $0x9FFFFFFF  }
0xc8: {  	(tm) =	ssettm $0x7FFFFFFF  }
0xc9: {  	_ =	shalt  }
tec
execute0_lowered:
.L_overlay_start_1:
0x0: {  	(tag) =	ssettag $0x1  }
0x1: {  	s1 =	srdreg.scid  }
0x2: {  	s2 =	rddreg [dreg:$0x0];
	s0 =	stileid.u32;
	s10 =	sand.u32 $0x1, s1  }
0x3: {  	s4 =	rddreg [dreg:$0x1];
	s5 =	sshll.u32 s0, $0x9;
	s6 =	sshll.u32 s10, $0x8  }
0x4: {  	s3 =	simm.s32 $0x0;
	s1 =	rddreg [dreg:$0x2];
	s11 =	sor.u32 s6, s5  }
0x5: {  	[smem:$0x7FF] =	sst s3;
	s5 =	sshrl.u32 s11, $0x3  }
0x6: {  	_ =	strace $0x80000047;
	s5 =	sadd.s32 s4, s5;
	s4 =	simm.s32 $0x2  }
0x7: {  	[tilespmem:s3], [sflag:$0x2] =	stream.linear.gather [hbm4b:s5+s3], $0x100, $0x38;
	[tilespmem:$0x8100] =	vst v63  }
0x8: {  	_ =	swait.ge [sflag:s4], $0x100  }
0x9: {  	[sflag:s4] =	ssyncset.done $0x0  }
0xa: {  	s7 =	simm.s32 $0x100;
	s6 =	simm.s32 $0x80;
	[sflag:s4] =	ssyncadd.s32 $0xFFFFFF00  }
0xb: {  	[tilespmem:s7], [sflag:$0x1] =	stream.indirect.gather [hbm4b:s2+s6], $0x80, s3, s6, $0xb8;
	[tilespmem:$0x8100] =	vst v63  }
0xc: {  	s8 =	simm.s32 $0x4100;
	s9 =	simm.s32 $0x1;
	s10 =	ssub.s32 $0x2, s10  }
0xd: {  	[tilespmem:s8], [sflag:$0x1] =	stream.indirect.gather [hbm4b:s2+s6], $0x80, s6, s6, $0xb8;
	[tilespmem:$0x8100] =	vst v63  }
0xe: {  	s12 =	sshrl.u32 s10, $0x1;
	_ =	swait.ge [sflag:s9], $0x4000  }
0xf: {  	s12 =	ssub.s32 s10, s12;
	[sflag:s9] =	ssyncset.done $0x0  }
0x10: {  	s31 =	smax.u32 s12, $0x1;
	[sflag:s9] =	ssyncadd.s32 $0xFFFFC000  }
0x11: {  	s11 =	sshll.u32 s11, $0x4;
	p0 =	sne.s32 s31, $0x1;
	_ =	swait.ge [sflag:s9], $0x4000  }
.Ltmp0:
0x12: {  	s30 =	sadd.s32 s11, s2;
	[sflag:s9] =	ssyncset.done $0x0;
	(pc) =	sbr.rel @!p0 .LBB2_2-.Ltmp0, $4  }
0x13: {  	s10 =	sadd.s32 $0x20000, s30;
	[sflag:s9] =	ssyncadd.s32 $0xFFFFC000  }
0x14: {  	[hbm4b:s10+s3] =	stream.linear.scatter [tilespmem:s7], [sflag:$0x2], $0x8000, $0x38;
	[tilespmem:$0x8100] =	vst v63  }
0x15: {  	_ =	swait.ge [sflag:s4], $0x8000  }
0x16: {  	s11 =	sadd.s32 $0xFFFFFFFF, s31;
	[sflag:s4] =	ssyncset.done $0x0  }
.LBB2_1:
0x17: {  	p0 =	sne.s32 s11, $0x1;
	s11 =	sadd.s32 $0xFFFFFFFF, s11;
	[sflag:s4] =	ssyncadd.s32 $0xFFFF8000  }
0x18: {  	[tilespmem:s3], [sflag:$0x2] =	stream.linear.gather [hbm4b:s5+s3], $0x100, $0x38;
	[tilespmem:$0x8100] =	vst v63  }
0x19: {  	_ =	swait.ge [sflag:s4], $0x100  }
0x1a: {  	[sflag:s4] =	ssyncset.done $0x0  }
0x1b: {  	[sflag:s4] =	ssyncadd.s32 $0xFFFFFF00  }
0x1c: {  	[tilespmem:s7], [sflag:$0x1] =	stream.indirect.gather [hbm4b:s2+s6], $0x80, s3, s6, $0xb8;
	[tilespmem:$0x8100] =	vst v63  }
0x1d: {  	_ = 	snop  }
0x1e: {  	[tilespmem:s8], [sflag:$0x1] =	stream.indirect.gather [hbm4b:s2+s6], $0x80, s6, s6, $0xb8;
	[tilespmem:$0x8100] =	vst v63  }
0x1f: {  	_ =	swait.ge [sflag:s9], $0x4000  }
0x20: {  	[sflag:s9] =	ssyncset.done $0x0  }
0x21: {  	[sflag:s9] =	ssyncadd.s32 $0xFFFFC000  }
0x22: {  	_ =	swait.ge [sflag:s9], $0x4000  }
.Ltmp1:
0x23: {  	[sflag:s9] =	ssyncset.done $0x0;
	(pc) =	sbr.rel @p0 .LBB2_1-.Ltmp1, $4  }
0x24: {  	[sflag:s9] =	ssyncadd.s32 $0xFFFFC000  }
0x25: {  	[hbm4b:s10+s3] =	stream.linear.scatter [tilespmem:s7], [sflag:$0x2], $0x8000, $0x38;
	[tilespmem:$0x8100] =	vst v63  }
0x26: {  	_ =	swait.ge [sflag:s4], $0x8000  }
0x27: {  	[sflag:s4] =	ssyncset.done $0x0  }
.LBB2_2:
0x28: {  	[sflag:s4] =	ssyncadd.s32 $0xFFFF8000  }
0x29: {  	_ =	sfence.sel $0x180000  }
0x2a: {  	[bflag:$0x0] =	sbarrier.arrive $0xFFFF  }
0x2b: {  	p0 =	sne.s32 s0, $0x0;
	_ =	strace $0x90000047  }
0x2c: {  	s0 =	sadd.s32 @!p0 $0x100000, s1;
	[bflag:$0x2] =	sbarrier.arrive $0xFFFF  }
0x2d: {  	[sflag:s0] =	ssyncadd.tile.s32 @!p0 $0x1;
	_ =	shalt  }
.Lfunc_end2:
_tile_overlayer_lowered:
.L_overlay_start_2:
0x2e: {  	(tag) =	ssettag $0x2  }
0x2f: {  	s0 =	rddreg [dreg:$0x0];
	s2 =	stileid.u32  }
0x30: {  	s1 =	rddreg [dreg:$0x1];
	p0 =	sne.s32 s2, $0x0  }
0x31: {  	s3 =	rddreg [dreg:$0x2];
	[bflag:$0x3] =	sbarrier.arrive $0xFFFF;
	s2 =	simm.s32 @!p0 $0x1C02  }
0x32: {  	[timem:s3], [sflag:s2] =	dma.local @!p0 [hbm:s0], s1  }
0x33: {  	s0 =	simm.s32 @!p0 $0x2  }
0x34: {  	_ =	swait.ge @!p0 [sflag:s0], s1  }
0x35: {  	s1 =	ssub.s32 @!p0 $0x0, s1;
	[sflag:s0] =	ssyncset.done @!p0 $0x0  }
0x36: {  	[sflag:s0] =	ssyncadd.s32 @!p0 s1  }
0x37: {  	[bflag:$0x3] =	sbarrier.arrive $0xFFFF  }
0x38: {  	_ =	shalt  }

</sc_bundles>
